<compile_context>
chip_gen: v7x
topology: tpu7x:2x2x1
jax: 0.10.2.dev20260603
libtpu: 0.0.44.dev20260713+nightly
codegen_flags: <defaults>
</compile_context>

<pallas_src>
import functools

import jax
import jax.numpy as jnp
from jax import lax
from jax.experimental import pallas as pl
from jax.experimental.pallas import tpu as pltpu
from jax.experimental.pallas import tpu_sc as plsc

B, S, M, D = 16, 2048, 64, 1024

_INFO = plsc.get_sparse_core_info()
_NC = _INFO.num_cores
_NS = _INFO.num_subcores
_L = _INFO.num_lanes
_NW = _NC * _NS
_ROWS = B * M
_RPW = _ROWS // _NW

_mesh = plsc.VectorSubcoreMesh(core_axis_name="c", subcore_axis_name="s")


_CHUNK = 8
_NCHUNK = _RPW // _CHUNK


@functools.partial(
    pl.kernel,
    mesh=_mesh,
    out_type=jax.ShapeDtypeStruct((_ROWS, D), jnp.float32),
    scratch_types=[
        pltpu.VMEM((_RPW,), jnp.int32),
        pltpu.VMEM((_NCHUNK, _CHUNK, D), jnp.float32),
        pltpu.SemaphoreType.DMA,
        pltpu.SemaphoreType.DMA,
        pltpu.SemaphoreType.DMA,
        pltpu.SemaphoreType.DMA,
        pltpu.SemaphoreType.DMA,
    ],
)
def _sc_gather(hs_hbm, pos_hbm, out_hbm, idx_v, rows_v,
               g_sem0, g_sem1, g_sem2, g_sem3, s_sem):
    wid = lax.axis_index("s") * _NC + lax.axis_index("c")
    base = wid * _RPW
    pltpu.sync_copy(pos_hbm.at[pl.ds(base, _RPW)], idx_v)
    boff = (base // M) * S
    for k in range(_RPW // _L):
        sl = pl.ds(k * _L, _L)
        idx_v[sl] = idx_v[sl] + boff
    gsems = (g_sem0, g_sem1, g_sem2, g_sem3)
    gathers = [
        pltpu.async_copy(
            hs_hbm.at[idx_v.at[pl.ds(c * _CHUNK, _CHUNK)]], rows_v.at[c], gsems[c])
        for c in range(_NCHUNK)
    ]
    scatters = []
    for c in range(_NCHUNK):
        gathers[c].wait()
        scatters.append(pltpu.async_copy(
            rows_v.at[c], out_hbm.at[pl.ds(base + c * _CHUNK, _CHUNK)], s_sem))
    for s in scatters:
        s.wait()


def kernel(hidden_states, pos):
    hs_flat = hidden_states.reshape(B * S, D)
    pos_flat = pos.reshape(_ROWS).astype(jnp.int32)
    out = _sc_gather(hs_flat, pos_flat)
    return out.reshape(B, M, D)

# --- scband reference (transcript-rebuilt; emitter-appended) ---
"""Pipeline reference for scband-special-stack-layer-27006754357583 (READ-ONLY COPY).

The authoritative reference and input builder live on the scoring server;
editing this copy changes nothing except your own understanding.
"""

import jax, jax.numpy as jnp
import numpy as np

BATCH_SIZE = 16
SEQ_LEN = 2048
MAX_SENT_NUM = 64
TENSOR_DIM = 1024


def setup_inputs(seed: int = 0) -> dict:
    key = jax.random.key(seed)
    k1, k2 = jax.random.split(key)
    hidden_states = jax.random.normal(k1, (BATCH_SIZE, SEQ_LEN, TENSOR_DIM), dtype=jnp.float32)
    pos = jax.random.randint(k2, (BATCH_SIZE, MAX_SENT_NUM), 0, SEQ_LEN, dtype=jnp.int64 if jax.config.jax_enable_x64 else jnp.int32)
    return {"hidden_states": hidden_states, "pos": pos}


def reference(hidden_states, pos):
    # Faithful translation of:
    # output[b, j, :] = hidden_states[b, pos[b, j], :]
    # implemented as a batched gather along the sequence axis.
    idx = pos[:, :, None]  # [B, max_sent_num, 1]
    output = jnp.take_along_axis(hidden_states, idx, axis=1)  # [B, max_sent_num, D]
    return output

if __name__ == "__main__":
    import jax
    _d = setup_inputs()
    print(jax.jit(kernel)(*tuple(_d.values())))

</pallas_src>

<mosaic_0001>
#map = affine_map<(d0, d1) -> (0, 0)>
#map1 = affine_map<(d0, d1) -> (0)>
module attributes {stable_mosaic.version = 14 : i64} {
  func.func @_sc_gather(%arg0: i32, %arg1: i32, %arg2: memref<32768x1024xf32, #tpu.memory_space<hbm>>, %arg3: memref<1024xi32, #tpu.memory_space<hbm>>, %arg4: memref<1024x1024xf32, #tpu.memory_space<hbm>>, %arg5: memref<32xi32, #tpu.memory_space<vmem>>, %arg6: memref<4x8x1024xf32, #tpu.memory_space<vmem>>, %arg7: memref<!tpu.dma_semaphore, #tpu.memory_space<semaphore_mem>>, %arg8: memref<!tpu.dma_semaphore, #tpu.memory_space<semaphore_mem>>, %arg9: memref<!tpu.dma_semaphore, #tpu.memory_space<semaphore_mem>>, %arg10: memref<!tpu.dma_semaphore, #tpu.memory_space<semaphore_mem>>, %arg11: memref<!tpu.dma_semaphore, #tpu.memory_space<semaphore_mem>>) attributes {dimension_semantics = [#tpu.dimension_semantics<core_parallel>, #tpu.dimension_semantics<subcore_parallel>], iteration_bounds = array<i64: 2, 16>, scalar_prefetch = 0 : i64, scratch_operands = 7 : i64, tpu.core_type = #tpu.core_type<sc_vector_subcore>, window_params = [{transform_indices = #map}, {transform_indices = #map1}, {transform_indices = #map}]} {
    %mul3A = arith.constant 2 : i32
    %mul3A_0 = arith.muli %arg1, %mul3A : i32
    %add3A = arith.addi %mul3A_0, %arg0 : i32
    %mul3A_1 = arith.constant 32 : i32
    %mul3A_2 = arith.muli %add3A, %mul3A_1 : i32
    "tpu.region"() ({
      %run_scoped3A = tpu.sem_alloc : memref<!tpu.dma_semaphore, #tpu.memory_space<semaphore_mem>>
      %dma_start3A_227 = tpu.memref_slice %arg3[%mul3A_2] : memref<1024xi32, #tpu.memory_space<hbm>> -> memref<32xi32, #tpu.memory_space<hbm>>
      %dma_start3A_228 = tpu.memref_slice %arg3[%mul3A_2] : memref<1024xi32, #tpu.memory_space<hbm>> -> memref<32xi32, #tpu.memory_space<hbm>>
      tpu.enqueue_dma source(%dma_start3A_228 : memref<32xi32, #tpu.memory_space<hbm>>) target(%arg5 : memref<32xi32, #tpu.memory_space<vmem>>) target_semaphore(%run_scoped3A : memref<!tpu.dma_semaphore, #tpu.memory_space<semaphore_mem>>)
      %dma_wait3A_229 = tpu.memref_slice %arg3[%mul3A_2] : memref<1024xi32, #tpu.memory_space<hbm>> -> memref<32xi32, #tpu.memory_space<hbm>>
      %dma_wait3A_230 = tpu.memref_slice %arg3[%mul3A_2] : memref<1024xi32, #tpu.memory_space<hbm>> -> memref<32xi32, #tpu.memory_space<hbm>>
      tpu.wait_dma2 semaphore(%run_scoped3A : memref<!tpu.dma_semaphore, #tpu.memory_space<semaphore_mem>>) src(%dma_wait3A_230 : memref<32xi32, #tpu.memory_space<hbm>>) dst(%arg5 : memref<32xi32, #tpu.memory_space<vmem>>)
      tpu.yield
    }) : () -> ()
    %jit3A = arith.constant 64 : i32
    %div3A = arith.divsi %mul3A_2, %jit3A : i32
    %sign3A = arith.constant 0 : i32
    %sign3A_3 = arith.cmpi sgt, %mul3A_2, %sign3A : i32
    %sign3A_4 = arith.extui %sign3A_3 : i1 to i32
    %sign3A_5 = arith.constant 0 : i32
    %sign3A_6 = arith.cmpi slt, %mul3A_2, %sign3A_5 : i32
    %sign3A_7 = arith.extui %sign3A_6 : i1 to i32
    %sign3A_8 = arith.subi %sign3A_4, %sign3A_7 : i32
    %sign3A_9 = arith.constant 0 : i32
    %sign3A_10 = arith.cmpi sgt, %jit3A, %sign3A_9 : i32
    %sign3A_11 = arith.extui %sign3A_10 : i1 to i32
    %sign3A_12 = arith.constant 0 : i32
    %sign3A_13 = arith.cmpi slt, %jit3A, %sign3A_12 : i32
    %sign3A_14 = arith.extui %sign3A_13 : i1 to i32
    %sign3A_15 = arith.subi %sign3A_11, %sign3A_14 : i32
    %ne3A = arith.cmpi ne, %sign3A_8, %sign3A_15 : i32
    %rem3A = arith.remsi %mul3A_2, %jit3A : i32
    %ne3A_16 = arith.constant 0 : i32
    %ne3A_17 = arith.cmpi ne, %rem3A, %ne3A_16 : i32
    %and3A = arith.andi %ne3A, %ne3A_17 : i1
    %sub3A = arith.constant 1 : i32
    %sub3A_18 = arith.subi %div3A, %sub3A : i32
    %select_n3A = arith.select %and3A, %sub3A_18, %div3A : i32
    %mul3A_19 = arith.constant 2048 : i32
    %mul3A_20 = arith.muli %select_n3A, %mul3A_19 : i32
    %get3A = arith.constant 0 : index
    %get3A_21 = tpu.vector_load %arg5[%get3A] {strides = array<i32>} : memref<32xi32, #tpu.memory_space<vmem>>, vector<16xi32>,
    %get3A_22 = vector.shape_cast %get3A_21 : vector<16xi32> to vector<16xi32>
    %add3A_23 = vector.broadcast %mul3A_20 : i32 to vector<16xi32>
    %add3A_24 = arith.addi %get3A_22, %add3A_23 : vector<16xi32>
    %swap3A = arith.constant 0 : index
    %swap3A_25 = tpu.vector_load %arg5[%swap3A] {strides = array<i32>} : memref<32xi32, #tpu.memory_space<vmem>>, vector<16xi32>,
    %swap3A_26 = vector.shape_cast %swap3A_25 : vector<16xi32> to vector<16xi32>
    %swap3A_27 = vector.shape_cast %add3A_24 : vector<16xi32> to vector<16xi32>
    tpu.vector_store %arg5[%swap3A], %swap3A_27 {strides = array<i32>} : memref<32xi32, #tpu.memory_space<vmem>>, vector<16xi32>,
    %get3A_28 = arith.constant 16 : index
    %get3A_29 = tpu.vector_load %arg5[%get3A_28] {strides = array<i32>} : memref<32xi32, #tpu.memory_space<vmem>>, vector<16xi32>,
    %get3A_30 = vector.shape_cast %get3A_29 : vector<16xi32> to vector<16xi32>
    %add3A_31 = vector.broadcast %mul3A_20 : i32 to vector<16xi32>
    %add3A_32 = arith.addi %get3A_30, %add3A_31 : vector<16xi32>
    %swap3A_33 = arith.constant 16 : index
    %swap3A_34 = tpu.vector_load %arg5[%swap3A_33] {strides = array<i32>} : memref<32xi32, #tpu.memory_space<vmem>>, vector<16xi32>,
    %swap3A_35 = vector.shape_cast %swap3A_34 : vector<16xi32> to vector<16xi32>
    %swap3A_36 = vector.shape_cast %add3A_32 : vector<16xi32> to vector<16xi32>
    tpu.vector_store %arg5[%swap3A_33], %swap3A_36 {strides = array<i32>} : memref<32xi32, #tpu.memory_space<vmem>>, vector<16xi32>,
    %dma_start3A = arith.constant 0 : i32
    %dma_start3A_37 = arith.constant 0 : i32
    %dma_start3A_38 = arith.constant 0 : i32
    %dma_start3A_39 = tpu.memref_slice %arg6[%dma_start3A, %dma_start3A_37, %dma_start3A_38] : memref<4x8x1024xf32, #tpu.memory_space<vmem>> -> memref<1x8x1024xf32, #tpu.memory_space<vmem>>
    %dma_start3A_40 = tpu.memref_squeeze %dma_start3A_39 : memref<1x8x1024xf32, #tpu.memory_space<vmem>> -> memref<8x1024xf32, #tpu.memory_space<vmem>>
    %dma_start3A_41 = arith.constant 0 : i32
    %dma_start3A_42 = tpu.memref_slice %arg5[%dma_start3A_41] : memref<32xi32, #tpu.memory_space<vmem>> -> memref<8xi32, #tpu.memory_space<vmem>>
    %dma_start3A_43 = arith.constant 0 : i32
    %dma_start3A_44 = arith.constant 0 : i32
    %dma_start3A_45 = tpu.memref_slice %arg2[%dma_start3A_43, %dma_start3A_44] : memref<32768x1024xf32, #tpu.memory_space<hbm>> -> memref<32768x1024xf32, #tpu.memory_space<hbm>>
    tpu.enqueue_indirect_dma source(%dma_start3A_45 : memref<32768x1024xf32, #tpu.memory_space<hbm>>) target(%dma_start3A_40 : memref<8x1024xf32, #tpu.memory_space<vmem>>) offsets(%dma_start3A_42 : memref<8xi32, #tpu.memory_space<vmem>>) semaphore(%arg7 : memref<!tpu.dma_semaphore, #tpu.memory_space<semaphore_mem>>)
    %dma_start3A_46 = arith.constant 1 : i32
    %dma_start3A_47 = arith.constant 0 : i32
    %dma_start3A_48 = arith.constant 0 : i32
    %dma_start3A_49 = tpu.memref_slice %arg6[%dma_start3A_46, %dma_start3A_47, %dma_start3A_48] : memref<4x8x1024xf32, #tpu.memory_space<vmem>> -> memref<1x8x1024xf32, #tpu.memory_space<vmem>>
    %dma_start3A_50 = tpu.memref_squeeze %dma_start3A_49 : memref<1x8x1024xf32, #tpu.memory_space<vmem>> -> memref<8x1024xf32, #tpu.memory_space<vmem>>
    %dma_start3A_51 = arith.constant 8 : i32
    %dma_start3A_52 = tpu.memref_slice %arg5[%dma_start3A_51] : memref<32xi32, #tpu.memory_space<vmem>> -> memref<8xi32, #tpu.memory_space<vmem>>
    %dma_start3A_53 = arith.constant 0 : i32
    %dma_start3A_54 = arith.constant 0 : i32
    %dma_start3A_55 = tpu.memref_slice %arg2[%dma_start3A_53, %dma_start3A_54] : memref<32768x1024xf32, #tpu.memory_space<hbm>> -> memref<32768x1024xf32, #tpu.memory_space<hbm>>
    tpu.enqueue_indirect_dma source(%dma_start3A_55 : memref<32768x1024xf32, #tpu.memory_space<hbm>>) target(%dma_start3A_50 : memref<8x1024xf32, #tpu.memory_space<vmem>>) offsets(%dma_start3A_52 : memref<8xi32, #tpu.memory_space<vmem>>) semaphore(%arg8 : memref<!tpu.dma_semaphore, #tpu.memory_space<semaphore_mem>>)
    %dma_start3A_56 = arith.constant 2 : i32
    %dma_start3A_57 = arith.constant 0 : i32
    %dma_start3A_58 = arith.constant 0 : i32
    %dma_start3A_59 = tpu.memref_slice %arg6[%dma_start3A_56, %dma_start3A_57, %dma_start3A_58] : memref<4x8x1024xf32, #tpu.memory_space<vmem>> -> memref<1x8x1024xf32, #tpu.memory_space<vmem>>
    %dma_start3A_60 = tpu.memref_squeeze %dma_start3A_59 : memref<1x8x1024xf32, #tpu.memory_space<vmem>> -> memref<8x1024xf32, #tpu.memory_space<vmem>>
    %dma_start3A_61 = arith.constant 16 : i32
    %dma_start3A_62 = tpu.memref_slice %arg5[%dma_start3A_61] : memref<32xi32, #tpu.memory_space<vmem>> -> memref<8xi32, #tpu.memory_space<vmem>>
    %dma_start3A_63 = arith.constant 0 : i32
    %dma_start3A_64 = arith.constant 0 : i32
    %dma_start3A_65 = tpu.memref_slice %arg2[%dma_start3A_63, %dma_start3A_64] : memref<32768x1024xf32, #tpu.memory_space<hbm>> -> memref<32768x1024xf32, #tpu.memory_space<hbm>>
    tpu.enqueue_indirect_dma source(%dma_start3A_65 : memref<32768x1024xf32, #tpu.memory_space<hbm>>) target(%dma_start3A_60 : memref<8x1024xf32, #tpu.memory_space<vmem>>) offsets(%dma_start3A_62 : memref<8xi32, #tpu.memory_space<vmem>>) semaphore(%arg9 : memref<!tpu.dma_semaphore, #tpu.memory_space<semaphore_mem>>)
    %dma_start3A_66 = arith.constant 3 : i32
    %dma_start3A_67 = arith.constant 0 : i32
    %dma_start3A_68 = arith.constant 0 : i32
    %dma_start3A_69 = tpu.memref_slice %arg6[%dma_start3A_66, %dma_start3A_67, %dma_start3A_68] : memref<4x8x1024xf32, #tpu.memory_space<vmem>> -> memref<1x8x1024xf32, #tpu.memory_space<vmem>>
    %dma_start3A_70 = tpu.memref_squeeze %dma_start3A_69 : memref<1x8x1024xf32, #tpu.memory_space<vmem>> -> memref<8x1024xf32, #tpu.memory_space<vmem>>
    %dma_start3A_71 = arith.constant 24 : i32
    %dma_start3A_72 = tpu.memref_slice %arg5[%dma_start3A_71] : memref<32xi32, #tpu.memory_space<vmem>> -> memref<8xi32, #tpu.memory_space<vmem>>
    %dma_start3A_73 = arith.constant 0 : i32
    %dma_start3A_74 = arith.constant 0 : i32
    %dma_start3A_75 = tpu.memref_slice %arg2[%dma_start3A_73, %dma_start3A_74] : memref<32768x1024xf32, #tpu.memory_space<hbm>> -> memref<32768x1024xf32, #tpu.memory_space<hbm>>
    tpu.enqueue_indirect_dma source(%dma_start3A_75 : memref<32768x1024xf32, #tpu.memory_space<hbm>>) target(%dma_start3A_70 : memref<8x1024xf32, #tpu.memory_space<vmem>>) offsets(%dma_start3A_72 : memref<8xi32, #tpu.memory_space<vmem>>) semaphore(%arg10 : memref<!tpu.dma_semaphore, #tpu.memory_space<semaphore_mem>>)
    %dma_wait3A = arith.constant 0 : i32
    %dma_wait3A_76 = arith.constant 0 : i32
    %dma_wait3A_77 = arith.constant 0 : i32
    %dma_wait3A_78 = tpu.memref_slice %arg6[%dma_wait3A, %dma_wait3A_76, %dma_wait3A_77] : memref<4x8x1024xf32, #tpu.memory_space<vmem>> -> memref<1x8x1024xf32, #tpu.memory_space<vmem>>
    %dma_wait3A_79 = tpu.memref_squeeze %dma_wait3A_78 : memref<1x8x1024xf32, #tpu.memory_space<vmem>> -> memref<8x1024xf32, #tpu.memory_space<vmem>>
    %dma_wait3A_80 = arith.constant 0 : i32
    %dma_wait3A_81 = tpu.memref_slice %arg5[%dma_wait3A_80] : memref<32xi32, #tpu.memory_space<vmem>> -> memref<8xi32, #tpu.memory_space<vmem>>
    %dma_wait3A_82 = arith.constant 0 : i32
    %dma_wait3A_83 = arith.constant 0 : i32
    %dma_wait3A_84 = tpu.memref_slice %arg2[%dma_wait3A_82, %dma_wait3A_83] : memref<32768x1024xf32, #tpu.memory_space<hbm>> -> memref<32768x1024xf32, #tpu.memory_space<hbm>>
    tpu.wait_indirect_dma semaphore(%arg7 : memref<!tpu.dma_semaphore, #tpu.memory_space<semaphore_mem>>) src(%dma_wait3A_84 : memref<32768x1024xf32, #tpu.memory_space<hbm>>) dst(%dma_wait3A_79 : memref<8x1024xf32, #tpu.memory_space<vmem>>)
    %add3A_85 = arith.constant 0 : i32
    %add3A_86 = arith.addi %mul3A_2, %add3A_85 : i32
    %dma_start3A_87 = arith.constant 0 : i32
    %dma_start3A_88 = arith.constant 0 : i32
    %dma_start3A_89 = arith.constant 0 : i32
    %dma_start3A_90 = tpu.memref_slice %arg6[%dma_start3A_87, %dma_start3A_88, %dma_start3A_89] : memref<4x8x1024xf32, #tpu.memory_space<vmem>> -> memref<1x8x1024xf32, #tpu.memory_space<vmem>>
    %dma_start3A_91 = tpu.memref_squeeze %dma_start3A_90 : memref<1x8x1024xf32, #tpu.memory_space<vmem>> -> memref<8x1024xf32, #tpu.memory_space<vmem>>
    %dma_start3A_92 = arith.constant 0 : i32
    %dma_start3A_93 = tpu.memref_slice %arg4[%add3A_86, %dma_start3A_92] : memref<1024x1024xf32, #tpu.memory_space<hbm>> -> memref<8x1024xf32, #tpu.memory_space<hbm>>
    %dma_start3A_94 = arith.constant 0 : i32
    %dma_start3A_95 = tpu.memref_slice %arg4[%add3A_86, %dma_start3A_94] : memref<1024x1024xf32, #tpu.memory_space<hbm>> -> memref<8x1024xf32, #tpu.memory_space<hbm>>
    %dma_start3A_96 = arith.constant 0 : i32
    %dma_start3A_97 = arith.constant 0 : i32
    %dma_start3A_98 = tpu.memref_slice %arg6[%dma_start3A_87, %dma_start3A_96, %dma_start3A_97] : memref<4x8x1024xf32, #tpu.memory_space<vmem>> -> memref<1x8x1024xf32, #tpu.memory_space<vmem>>
    %dma_start3A_99 = tpu.memref_squeeze %dma_start3A_98 : memref<1x8x1024xf32, #tpu.memory_space<vmem>> -> memref<8x1024xf32, #tpu.memory_space<vmem>>
    tpu.enqueue_dma source(%dma_start3A_99 : memref<8x1024xf32, #tpu.memory_space<vmem>>) target(%dma_start3A_95 : memref<8x1024xf32, #tpu.memory_space<hbm>>) target_semaphore(%arg11 : memref<!tpu.dma_semaphore, #tpu.memory_space<semaphore_mem>>)
    %dma_wait3A_100 = arith.constant 1 : i32
    %dma_wait3A_101 = arith.constant 0 : i32
    %dma_wait3A_102 = arith.constant 0 : i32
    %dma_wait3A_103 = tpu.memref_slice %arg6[%dma_wait3A_100, %dma_wait3A_101, %dma_wait3A_102] : memref<4x8x1024xf32, #tpu.memory_space<vmem>> -> memref<1x8x1024xf32, #tpu.memory_space<vmem>>
    %dma_wait3A_104 = tpu.memref_squeeze %dma_wait3A_103 : memref<1x8x1024xf32, #tpu.memory_space<vmem>> -> memref<8x1024xf32, #tpu.memory_space<vmem>>
    %dma_wait3A_105 = arith.constant 8 : i32
    %dma_wait3A_106 = tpu.memref_slice %arg5[%dma_wait3A_105] : memref<32xi32, #tpu.memory_space<vmem>> -> memref<8xi32, #tpu.memory_space<vmem>>
    %dma_wait3A_107 = arith.constant 0 : i32
    %dma_wait3A_108 = arith.constant 0 : i32
    %dma_wait3A_109 = tpu.memref_slice %arg2[%dma_wait3A_107, %dma_wait3A_108] : memref<32768x1024xf32, #tpu.memory_space<hbm>> -> memref<32768x1024xf32, #tpu.memory_space<hbm>>
    tpu.wait_indirect_dma semaphore(%arg8 : memref<!tpu.dma_semaphore, #tpu.memory_space<semaphore_mem>>) src(%dma_wait3A_109 : memref<32768x1024xf32, #tpu.memory_space<hbm>>) dst(%dma_wait3A_104 : memref<8x1024xf32, #tpu.memory_space<vmem>>)
    %add3A_110 = arith.constant 8 : i32
    %add3A_111 = arith.addi %mul3A_2, %add3A_110 : i32
    %dma_start3A_112 = arith.constant 1 : i32
    %dma_start3A_113 = arith.constant 0 : i32
    %dma_start3A_114 = arith.constant 0 : i32
    %dma_start3A_115 = tpu.memref_slice %arg6[%dma_start3A_112, %dma_start3A_113, %dma_start3A_114] : memref<4x8x1024xf32, #tpu.memory_space<vmem>> -> memref<1x8x1024xf32, #tpu.memory_space<vmem>>
    %dma_start3A_116 = tpu.memref_squeeze %dma_start3A_115 : memref<1x8x1024xf32, #tpu.memory_space<vmem>> -> memref<8x1024xf32, #tpu.memory_space<vmem>>
    %dma_start3A_117 = arith.constant 0 : i32
    %dma_start3A_118 = tpu.memref_slice %arg4[%add3A_111, %dma_start3A_117] : memref<1024x1024xf32, #tpu.memory_space<hbm>> -> memref<8x1024xf32, #tpu.memory_space<hbm>>
    %dma_start3A_119 = arith.constant 0 : i32
    %dma_start3A_120 = tpu.memref_slice %arg4[%add3A_111, %dma_start3A_119] : memref<1024x1024xf32, #tpu.memory_space<hbm>> -> memref<8x1024xf32, #tpu.memory_space<hbm>>
    %dma_start3A_121 = arith.constant 0 : i32
    %dma_start3A_122 = arith.constant 0 : i32
    %dma_start3A_123 = tpu.memref_slice %arg6[%dma_start3A_112, %dma_start3A_121, %dma_start3A_122] : memref<4x8x1024xf32, #tpu.memory_space<vmem>> -> memref<1x8x1024xf32, #tpu.memory_space<vmem>>
    %dma_start3A_124 = tpu.memref_squeeze %dma_start3A_123 : memref<1x8x1024xf32, #tpu.memory_space<vmem>> -> memref<8x1024xf32, #tpu.memory_space<vmem>>
    tpu.enqueue_dma source(%dma_start3A_124 : memref<8x1024xf32, #tpu.memory_space<vmem>>) target(%dma_start3A_120 : memref<8x1024xf32, #tpu.memory_space<hbm>>) target_semaphore(%arg11 : memref<!tpu.dma_semaphore, #tpu.memory_space<semaphore_mem>>)
    %dma_wait3A_125 = arith.constant 2 : i32
    %dma_wait3A_126 = arith.constant 0 : i32
    %dma_wait3A_127 = arith.constant 0 : i32
    %dma_wait3A_128 = tpu.memref_slice %arg6[%dma_wait3A_125, %dma_wait3A_126, %dma_wait3A_127] : memref<4x8x1024xf32, #tpu.memory_space<vmem>> -> memref<1x8x1024xf32, #tpu.memory_space<vmem>>
    %dma_wait3A_129 = tpu.memref_squeeze %dma_wait3A_128 : memref<1x8x1024xf32, #tpu.memory_space<vmem>> -> memref<8x1024xf32, #tpu.memory_space<vmem>>
    %dma_wait3A_130 = arith.constant 16 : i32
    %dma_wait3A_131 = tpu.memref_slice %arg5[%dma_wait3A_130] : memref<32xi32, #tpu.memory_space<vmem>> -> memref<8xi32, #tpu.memory_space<vmem>>
    %dma_wait3A_132 = arith.constant 0 : i32
    %dma_wait3A_133 = arith.constant 0 : i32
    %dma_wait3A_134 = tpu.memref_slice %arg2[%dma_wait3A_132, %dma_wait3A_133] : memref<32768x1024xf32, #tpu.memory_space<hbm>> -> memref<32768x1024xf32, #tpu.memory_space<hbm>>
    tpu.wait_indirect_dma semaphore(%arg9 : memref<!tpu.dma_semaphore, #tpu.memory_space<semaphore_mem>>) src(%dma_wait3A_134 : memref<32768x1024xf32, #tpu.memory_space<hbm>>) dst(%dma_wait3A_129 : memref<8x1024xf32, #tpu.memory_space<vmem>>)
    %add3A_135 = arith.constant 16 : i32
    %add3A_136 = arith.addi %mul3A_2, %add3A_135 : i32
    %dma_start3A_137 = arith.constant 2 : i32
    %dma_start3A_138 = arith.constant 0 : i32
    %dma_start3A_139 = arith.constant 0 : i32
    %dma_start3A_140 = tpu.memref_slice %arg6[%dma_start3A_137, %dma_start3A_138, %dma_start3A_139] : memref<4x8x1024xf32, #tpu.memory_space<vmem>> -> memref<1x8x1024xf32, #tpu.memory_space<vmem>>
    %dma_start3A_141 = tpu.memref_squeeze %dma_start3A_140 : memref<1x8x1024xf32, #tpu.memory_space<vmem>> -> memref<8x1024xf32, #tpu.memory_space<vmem>>
    %dma_start3A_142 = arith.constant 0 : i32
    %dma_start3A_143 = tpu.memref_slice %arg4[%add3A_136, %dma_start3A_142] : memref<1024x1024xf32, #tpu.memory_space<hbm>> -> memref<8x1024xf32, #tpu.memory_space<hbm>>
    %dma_start3A_144 = arith.constant 0 : i32
    %dma_start3A_145 = tpu.memref_slice %arg4[%add3A_136, %dma_start3A_144] : memref<1024x1024xf32, #tpu.memory_space<hbm>> -> memref<8x1024xf32, #tpu.memory_space<hbm>>
    %dma_start3A_146 = arith.constant 0 : i32
    %dma_start3A_147 = arith.constant 0 : i32
    %dma_start3A_148 = tpu.memref_slice %arg6[%dma_start3A_137, %dma_start3A_146, %dma_start3A_147] : memref<4x8x1024xf32, #tpu.memory_space<vmem>> -> memref<1x8x1024xf32, #tpu.memory_space<vmem>>
    %dma_start3A_149 = tpu.memref_squeeze %dma_start3A_148 : memref<1x8x1024xf32, #tpu.memory_space<vmem>> -> memref<8x1024xf32, #tpu.memory_space<vmem>>
    tpu.enqueue_dma source(%dma_start3A_149 : memref<8x1024xf32, #tpu.memory_space<vmem>>) target(%dma_start3A_145 : memref<8x1024xf32, #tpu.memory_space<hbm>>) target_semaphore(%arg11 : memref<!tpu.dma_semaphore, #tpu.memory_space<semaphore_mem>>)
    %dma_wait3A_150 = arith.constant 3 : i32
    %dma_wait3A_151 = arith.constant 0 : i32
    %dma_wait3A_152 = arith.constant 0 : i32
    %dma_wait3A_153 = tpu.memref_slice %arg6[%dma_wait3A_150, %dma_wait3A_151, %dma_wait3A_152] : memref<4x8x1024xf32, #tpu.memory_space<vmem>> -> memref<1x8x1024xf32, #tpu.memory_space<vmem>>
    %dma_wait3A_154 = tpu.memref_squeeze %dma_wait3A_153 : memref<1x8x1024xf32, #tpu.memory_space<vmem>> -> memref<8x1024xf32, #tpu.memory_space<vmem>>
    %dma_wait3A_155 = arith.constant 24 : i32
    %dma_wait3A_156 = tpu.memref_slice %arg5[%dma_wait3A_155] : memref<32xi32, #tpu.memory_space<vmem>> -> memref<8xi32, #tpu.memory_space<vmem>>
    %dma_wait3A_157 = arith.constant 0 : i32
    %dma_wait3A_158 = arith.constant 0 : i32
    %dma_wait3A_159 = tpu.memref_slice %arg2[%dma_wait3A_157, %dma_wait3A_158] : memref<32768x1024xf32, #tpu.memory_space<hbm>> -> memref<32768x1024xf32, #tpu.memory_space<hbm>>
    tpu.wait_indirect_dma semaphore(%arg10 : memref<!tpu.dma_semaphore, #tpu.memory_space<semaphore_mem>>) src(%dma_wait3A_159 : memref<32768x1024xf32, #tpu.memory_space<hbm>>) dst(%dma_wait3A_154 : memref<8x1024xf32, #tpu.memory_space<vmem>>)
    %add3A_160 = arith.constant 24 : i32
    %add3A_161 = arith.addi %mul3A_2, %add3A_160 : i32
    %dma_start3A_162 = arith.constant 3 : i32
    %dma_start3A_163 = arith.constant 0 : i32
    %dma_start3A_164 = arith.constant 0 : i32
    %dma_start3A_165 = tpu.memref_slice %arg6[%dma_start3A_162, %dma_start3A_163, %dma_start3A_164] : memref<4x8x1024xf32, #tpu.memory_space<vmem>> -> memref<1x8x1024xf32, #tpu.memory_space<vmem>>
    %dma_start3A_166 = tpu.memref_squeeze %dma_start3A_165 : memref<1x8x1024xf32, #tpu.memory_space<vmem>> -> memref<8x1024xf32, #tpu.memory_space<vmem>>
    %dma_start3A_167 = arith.constant 0 : i32
    %dma_start3A_168 = tpu.memref_slice %arg4[%add3A_161, %dma_start3A_167] : memref<1024x1024xf32, #tpu.memory_space<hbm>> -> memref<8x1024xf32, #tpu.memory_space<hbm>>
    %dma_start3A_169 = arith.constant 0 : i32
    %dma_start3A_170 = tpu.memref_slice %arg4[%add3A_161, %dma_start3A_169] : memref<1024x1024xf32, #tpu.memory_space<hbm>> -> memref<8x1024xf32, #tpu.memory_space<hbm>>
    %dma_start3A_171 = arith.constant 0 : i32
    %dma_start3A_172 = arith.constant 0 : i32
    %dma_start3A_173 = tpu.memref_slice %arg6[%dma_start3A_162, %dma_start3A_171, %dma_start3A_172] : memref<4x8x1024xf32, #tpu.memory_space<vmem>> -> memref<1x8x1024xf32, #tpu.memory_space<vmem>>
    %dma_start3A_174 = tpu.memref_squeeze %dma_start3A_173 : memref<1x8x1024xf32, #tpu.memory_space<vmem>> -> memref<8x1024xf32, #tpu.memory_space<vmem>>
    tpu.enqueue_dma source(%dma_start3A_174 : memref<8x1024xf32, #tpu.memory_space<vmem>>) target(%dma_start3A_170 : memref<8x1024xf32, #tpu.memory_space<hbm>>) target_semaphore(%arg11 : memref<!tpu.dma_semaphore, #tpu.memory_space<semaphore_mem>>)
    %dma_wait3A_175 = arith.constant 0 : i32
    %dma_wait3A_176 = arith.constant 0 : i32
    %dma_wait3A_177 = arith.constant 0 : i32
    %dma_wait3A_178 = tpu.memref_slice %arg6[%dma_wait3A_175, %dma_wait3A_176, %dma_wait3A_177] : memref<4x8x1024xf32, #tpu.memory_space<vmem>> -> memref<1x8x1024xf32, #tpu.memory_space<vmem>>
    %dma_wait3A_179 = tpu.memref_squeeze %dma_wait3A_178 : memref<1x8x1024xf32, #tpu.memory_space<vmem>> -> memref<8x1024xf32, #tpu.memory_space<vmem>>
    %dma_wait3A_180 = arith.constant 0 : i32
    %dma_wait3A_181 = tpu.memref_slice %arg4[%add3A_86, %dma_wait3A_180] : memref<1024x1024xf32, #tpu.memory_space<hbm>> -> memref<8x1024xf32, #tpu.memory_space<hbm>>
    %dma_wait3A_182 = arith.constant 0 : i32
    %dma_wait3A_183 = tpu.memref_slice %arg4[%add3A_86, %dma_wait3A_182] : memref<1024x1024xf32, #tpu.memory_space<hbm>> -> memref<8x1024xf32, #tpu.memory_space<hbm>>
    %dma_wait3A_184 = arith.constant 0 : i32
    %dma_wait3A_185 = arith.constant 0 : i32
    %dma_wait3A_186 = tpu.memref_slice %arg6[%dma_wait3A_175, %dma_wait3A_184, %dma_wait3A_185] : memref<4x8x1024xf32, #tpu.memory_space<vmem>> -> memref<1x8x1024xf32, #tpu.memory_space<vmem>>
    %dma_wait3A_187 = tpu.memref_squeeze %dma_wait3A_186 : memref<1x8x1024xf32, #tpu.memory_space<vmem>> -> memref<8x1024xf32, #tpu.memory_space<vmem>>
    tpu.wait_dma2 semaphore(%arg11 : memref<!tpu.dma_semaphore, #tpu.memory_space<semaphore_mem>>) src(%dma_wait3A_187 : memref<8x1024xf32, #tpu.memory_space<vmem>>) dst(%dma_wait3A_183 : memref<8x1024xf32, #tpu.memory_space<hbm>>)
    %dma_wait3A_188 = arith.constant 1 : i32
    %dma_wait3A_189 = arith.constant 0 : i32
    %dma_wait3A_190 = arith.constant 0 : i32
    %dma_wait3A_191 = tpu.memref_slice %arg6[%dma_wait3A_188, %dma_wait3A_189, %dma_wait3A_190] : memref<4x8x1024xf32, #tpu.memory_space<vmem>> -> memref<1x8x1024xf32, #tpu.memory_space<vmem>>
    %dma_wait3A_192 = tpu.memref_squeeze %dma_wait3A_191 : memref<1x8x1024xf32, #tpu.memory_space<vmem>> -> memref<8x1024xf32, #tpu.memory_space<vmem>>
    %dma_wait3A_193 = arith.constant 0 : i32
    %dma_wait3A_194 = tpu.memref_slice %arg4[%add3A_111, %dma_wait3A_193] : memref<1024x1024xf32, #tpu.memory_space<hbm>> -> memref<8x1024xf32, #tpu.memory_space<hbm>>
    %dma_wait3A_195 = arith.constant 0 : i32
    %dma_wait3A_196 = tpu.memref_slice %arg4[%add3A_111, %dma_wait3A_195] : memref<1024x1024xf32, #tpu.memory_space<hbm>> -> memref<8x1024xf32, #tpu.memory_space<hbm>>
    %dma_wait3A_197 = arith.constant 0 : i32
    %dma_wait3A_198 = arith.constant 0 : i32
    %dma_wait3A_199 = tpu.memref_slice %arg6[%dma_wait3A_188, %dma_wait3A_197, %dma_wait3A_198] : memref<4x8x1024xf32, #tpu.memory_space<vmem>> -> memref<1x8x1024xf32, #tpu.memory_space<vmem>>
    %dma_wait3A_200 = tpu.memref_squeeze %dma_wait3A_199 : memref<1x8x1024xf32, #tpu.memory_space<vmem>> -> memref<8x1024xf32, #tpu.memory_space<vmem>>
    tpu.wait_dma2 semaphore(%arg11 : memref<!tpu.dma_semaphore, #tpu.memory_space<semaphore_mem>>) src(%dma_wait3A_200 : memref<8x1024xf32, #tpu.memory_space<vmem>>) dst(%dma_wait3A_196 : memref<8x1024xf32, #tpu.memory_space<hbm>>)
    %dma_wait3A_201 = arith.constant 2 : i32
    %dma_wait3A_202 = arith.constant 0 : i32
    %dma_wait3A_203 = arith.constant 0 : i32
    %dma_wait3A_204 = tpu.memref_slice %arg6[%dma_wait3A_201, %dma_wait3A_202, %dma_wait3A_203] : memref<4x8x1024xf32, #tpu.memory_space<vmem>> -> memref<1x8x1024xf32, #tpu.memory_space<vmem>>
    %dma_wait3A_205 = tpu.memref_squeeze %dma_wait3A_204 : memref<1x8x1024xf32, #tpu.memory_space<vmem>> -> memref<8x1024xf32, #tpu.memory_space<vmem>>
    %dma_wait3A_206 = arith.constant 0 : i32
    %dma_wait3A_207 = tpu.memref_slice %arg4[%add3A_136, %dma_wait3A_206] : memref<1024x1024xf32, #tpu.memory_space<hbm>> -> memref<8x1024xf32, #tpu.memory_space<hbm>>
    %dma_wait3A_208 = arith.constant 0 : i32
    %dma_wait3A_209 = tpu.memref_slice %arg4[%add3A_136, %dma_wait3A_208] : memref<1024x1024xf32, #tpu.memory_space<hbm>> -> memref<8x1024xf32, #tpu.memory_space<hbm>>
    %dma_wait3A_210 = arith.constant 0 : i32
    %dma_wait3A_211 = arith.constant 0 : i32
    %dma_wait3A_212 = tpu.memref_slice %arg6[%dma_wait3A_201, %dma_wait3A_210, %dma_wait3A_211] : memref<4x8x1024xf32, #tpu.memory_space<vmem>> -> memref<1x8x1024xf32, #tpu.memory_space<vmem>>
    %dma_wait3A_213 = tpu.memref_squeeze %dma_wait3A_212 : memref<1x8x1024xf32, #tpu.memory_space<vmem>> -> memref<8x1024xf32, #tpu.memory_space<vmem>>
    tpu.wait_dma2 semaphore(%arg11 : memref<!tpu.dma_semaphore, #tpu.memory_space<semaphore_mem>>) src(%dma_wait3A_213 : memref<8x1024xf32, #tpu.memory_space<vmem>>) dst(%dma_wait3A_209 : memref<8x1024xf32, #tpu.memory_space<hbm>>)
    %dma_wait3A_214 = arith.constant 3 : i32
    %dma_wait3A_215 = arith.constant 0 : i32
    %dma_wait3A_216 = arith.constant 0 : i32
    %dma_wait3A_217 = tpu.memref_slice %arg6[%dma_wait3A_214, %dma_wait3A_215, %dma_wait3A_216] : memref<4x8x1024xf32, #tpu.memory_space<vmem>> -> memref<1x8x1024xf32, #tpu.memory_space<vmem>>
    %dma_wait3A_218 = tpu.memref_squeeze %dma_wait3A_217 : memref<1x8x1024xf32, #tpu.memory_space<vmem>> -> memref<8x1024xf32, #tpu.memory_space<vmem>>
    %dma_wait3A_219 = arith.constant 0 : i32
    %dma_wait3A_220 = tpu.memref_slice %arg4[%add3A_161, %dma_wait3A_219] : memref<1024x1024xf32, #tpu.memory_space<hbm>> -> memref<8x1024xf32, #tpu.memory_space<hbm>>
    %dma_wait3A_221 = arith.constant 0 : i32
    %dma_wait3A_222 = tpu.memref_slice %arg4[%add3A_161, %dma_wait3A_221] : memref<1024x1024xf32, #tpu.memory_space<hbm>> -> memref<8x1024xf32, #tpu.memory_space<hbm>>
    %dma_wait3A_223 = arith.constant 0 : i32
    %dma_wait3A_224 = arith.constant 0 : i32
    %dma_wait3A_225 = tpu.memref_slice %arg6[%dma_wait3A_214, %dma_wait3A_223, %dma_wait3A_224] : memref<4x8x1024xf32, #tpu.memory_space<vmem>> -> memref<1x8x1024xf32, #tpu.memory_space<vmem>>
    %dma_wait3A_226 = tpu.memref_squeeze %dma_wait3A_225 : memref<1x8x1024xf32, #tpu.memory_space<vmem>> -> memref<8x1024xf32, #tpu.memory_space<vmem>>
    tpu.wait_dma2 semaphore(%arg11 : memref<!tpu.dma_semaphore, #tpu.memory_space<semaphore_mem>>) src(%dma_wait3A_226 : memref<8x1024xf32, #tpu.memory_space<vmem>>) dst(%dma_wait3A_222 : memref<8x1024xf32, #tpu.memory_space<hbm>>)
    return
  }
}

</mosaic_0001>

<sc_bundles>
// kernel: kernel.3.cloned.1.call-start
scs
__scs_entry_jumppad:
0x0: {  	(pc) =	sbr.rel $0x88, $3  }
0x1: {  	(tag) =	ssettag $0x0;
	lr =	simm.s32 $0x1  }
0x2: {  	[smem:$0x3F9F] =	sst lr;
	_ =	strace $0xD0000000  }
0x3: {  	_ = 	snop  }
0x4: {  	_ = 	snop  }
0x5: {  	_ = 	snop  }
0x6: {  	_ = 	snop  }
0x7: {  	_ = 	snop  }
__scs_overlays_trampoline_lowered:
0x8: {  	[smem:$0x3FAE] =	sst s0  }
0x9: {  	[smem:$0x3FAF] =	sst s1  }
0xa: {  	[smem:$0x3FB0] =	sst s2  }
0xb: {  	[smem:$0x3FB1] =	sst s3  }
0xc: {  	[smem:$0x3FB2] =	sst s4  }
0xd: {  	[smem:$0x3FB3] =	sst s5  }
0xe: {  	[smem:$0x3FB4] =	sst s6  }
0xf: {  	[smem:$0x3FB5] =	sst s7  }
0x10: {  	[smem:$0x3FB6] =	sst s8  }
0x11: {  	[smem:$0x3FB7] =	sst s9;
	s0 =	simm.s32 @!p0 $0x0  }
0x12: {  	s1 =	sld [smem:$0x3F9D];
	s0 =	simm.s32 @p0 $0x1  }
0x13: {  	[smem:$0x3FB8] =	sst s0;
	s0 =	simm.s32 @!p1 $0x0  }
0x14: {  	s2 =	sld [smem:$0x3F9C];
	s0 =	simm.s32 @p1 $0x1  }
0x15: {  	[smem:$0x3FB9] =	sst s0;
	s0 =	simm.s32 @!p2 $0x0  }
0x16: {  	s3 =	sld [smem:$0x3FDB];
	s0 =	simm.s32 @p2 $0x1  }
0x17: {  	s4 =	simm.s32 $0x1BF5;
	[smem:$0x3FBB] =	sst s0  }
0x18: {  	s0 =	sld [smem:$0x3F9E];
	_ =	swait.ge [sflag:s4], $0x0  }
0x19: {  	s7 =	sld [smem:$0x3F9F]  }
0x1a: {  	s8 =	sadd.s32 $0xFFFFE003, lr  }
0x1b: {  	s9 =	sadd.s32 $0xFFFFFEF7, lr;
	s5 =	simm.s32 $0xFFFFFFFF;
	p2 =	slt.u32 s8, $0xFFFFF086  }
0x1c: {  	p1 =	slt.u32 s9, $0xF7A;
	s5 =	simm.s32 @!p2 $0x0  }
0x1d: {  	s5 =	simm.s32 @p1 $0x1;
	p0 =	seq.s32 s7, s2  }
0x1e: {  	s7 =	smul.u32 @!p0 $0xF7A, s2;
	p2 =	seq.s32 @!p0 s5, $0x0  }
0x1f: {  	s9 =	smul.u32 $0xF7A, s1;
	s8 =	simm.s32 @!p0 $0x1BF5;
	p2 =	por !p2, p0  }
0x20: {  	[sflag:s8] =	ssyncset.s32 @!p0 $0xFFFFF086;
	s6 =	sadd.s32 @!p0 s3, s7;
	s7 =	simm.s32 @!p0 $0x108  }
0x21: {  	s3 =	sadd.s32 s3, s9;
	s6 =	sadd.s32 @!p0 $0x88, s6;
	s7 =	simm.s32 @p2 $0x1082  }
0x22: {  	[simem:s7], [sflag:s8] =	dma.local @!p0 [hbm:s6], $0xF7A  }
0x23: {  	s9 =	sor.u32 $0xD0000000, s2;
	s6 =	simm.s32 $0x108;
	_ =	swait.ge @!p0 [sflag:s8], $0x0  }
0x24: {  	s3 =	sadd.s32 $0x88, s3;
	s6 =	simm.s32 @!p1 $0x1082;
	[sflag:s4] =	ssyncset.s32 $0xFFFFF086  }
0x25: {  	[simem:s6], [sflag:s4] =	dma.local [hbm:s3], $0xF7A  }
0x26: {  	[smem:$0x3F9F] =	sst s1;
	(tag) =	ssettag s2;
	_ =	strace s9  }
0x27: {  	s1 =	sld [smem:$0x3FAF]  }
0x28: {  	s2 =	sld [smem:$0x3FB0]  }
0x29: {  	s4 =	sld [smem:$0x3FB2]  }
0x2a: {  	p0 =	seq.s32 s5, $0x0;
	s5 =	sld [smem:$0x3FB3]  }
0x2b: {  	s6 =	sld [smem:$0x3FB4]  }
0x2c: {  	s7 =	sld [smem:$0x3FB5]  }
0x2d: {  	s3 =	simm.s32 $0x108;
	s8 =	sld [smem:$0x3FB6]  }
0x2e: {  	s3 =	simm.s32 @!p0 $0x1082;
	s9 =	sld [smem:$0x3FB7]  }
0x2f: {  	lr =	sadd.s32 s0, s3;
	s0 =	sld [smem:$0x3FAE]  }
0x30: {  	s3 =	sld [smem:$0x3FB1]  }
0x31: {  	[smem:$0x3FBA] =	sst s10  }
0x32: {  	s10 =	sld [smem:$0x3FB8];
	_ =	sdelay $0x3  }
0x33: {  	p0 =	seq.s32 s10, $0x1;
	s10 =	sld [smem:$0x3FBA];
	_ =	sdelay $0x3  }
0x34: {  	[smem:$0x3FBA] =	sst s10  }
0x35: {  	s10 =	sld [smem:$0x3FB9];
	_ =	sdelay $0x3  }
0x36: {  	p1 =	seq.s32 s10, $0x1;
	s10 =	sld [smem:$0x3FBA];
	_ =	sdelay $0x3  }
0x37: {  	[smem:$0x3FBA] =	sst s10  }
0x38: {  	s10 =	sld [smem:$0x3FBB]  }
0x39: {  	_ = 	snop;
	(pc) =	sbr.ind lr, $3  }
0x3a: {  	_ = 	snop  }
0x3b: {  	_ = 	snop  }
0x3c: {  	p2 =	seq.s32 s10, $0x1;
	s10 =	sld [smem:$0x3FBA]  }
0x3d: {  	_ =	shalt  }
0x3e: {  	_ =	shalt  }
0x3f: {  	_ =	shalt  }
0x40: {  	_ =	shalt  }
0x41: {  	_ =	shalt  }
0x42: {  	_ =	shalt  }
0x43: {  	_ =	shalt  }
0x44: {  	_ =	shalt  }
0x45: {  	_ =	shalt  }
0x46: {  	_ =	shalt  }
0x47: {  	_ =	shalt  }
0x48: {  	_ =	shalt  }
0x49: {  	_ =	shalt  }
0x4a: {  	_ =	shalt  }
0x4b: {  	_ =	shalt  }
0x4c: {  	_ =	shalt  }
0x4d: {  	_ =	shalt  }
0x4e: {  	_ =	shalt  }
0x4f: {  	_ =	shalt  }
0x50: {  	_ =	shalt  }
0x51: {  	_ =	shalt  }
0x52: {  	_ =	shalt  }
0x53: {  	_ =	shalt  }
0x54: {  	_ =	shalt  }
0x55: {  	_ =	shalt  }
0x56: {  	_ =	shalt  }
0x57: {  	_ =	shalt  }
0x58: {  	_ =	shalt  }
0x59: {  	_ =	shalt  }
0x5a: {  	_ =	shalt  }
0x5b: {  	_ =	shalt  }
0x5c: {  	_ =	shalt  }
0x5d: {  	_ =	shalt  }
0x5e: {  	_ =	shalt  }
0x5f: {  	_ =	shalt  }
0x60: {  	_ =	shalt  }
0x61: {  	_ =	shalt  }
0x62: {  	_ =	shalt  }
0x63: {  	_ =	shalt  }
0x64: {  	_ =	shalt  }
0x65: {  	_ =	shalt  }
0x66: {  	_ =	shalt  }
0x67: {  	_ =	shalt  }
0x68: {  	_ =	shalt  }
0x69: {  	_ =	shalt  }
0x6a: {  	_ =	shalt  }
0x6b: {  	_ =	shalt  }
0x6c: {  	_ =	shalt  }
0x6d: {  	_ =	shalt  }
0x6e: {  	_ =	shalt  }
0x6f: {  	_ =	shalt  }
0x70: {  	_ =	shalt  }
0x71: {  	_ =	shalt  }
0x72: {  	_ =	shalt  }
0x73: {  	_ =	shalt  }
0x74: {  	_ =	shalt  }
0x75: {  	_ =	shalt  }
0x76: {  	_ =	shalt  }
0x77: {  	_ =	shalt  }
0x78: {  	_ =	shalt  }
0x79: {  	_ =	shalt  }
0x7a: {  	_ =	shalt  }
0x7b: {  	_ =	shalt  }
0x7c: {  	_ =	shalt  }
0x7d: {  	_ =	shalt  }
0x7e: {  	_ =	shalt  }
0x7f: {  	_ =	shalt  }
0x80: {  	_ =	shalt  }
0x81: {  	_ =	shalt  }
0x82: {  	_ =	shalt  }
0x83: {  	_ =	shalt  }
0x84: {  	_ =	shalt  }
0x85: {  	_ =	shalt  }
0x86: {  	_ =	shalt  }
0x87: {  	_ =	shalt  }
.Lfunc_end0:
.L_simem_size_0:
called_computation_lowered:
.L_overlay_start_0:
0x88: {  	s2 =	sld [smem:$0x3FD9]  }
0x89: {  	s3 =	sld [smem:$0x3FFE];
	_ =	sdelay $0x1  }
0x8a: {  	s1 =	srdreg.scid  }
0x8b: {  	s0 =	sand.u32 $0x1, s1  }
0x8c: {  	s17 =	sshll.u32 s0, $0xA;
	s2 =	sadd.s32 s3, s2  }
0x8d: {  	s2 =	sadd.s32 s2, s17  }
0x8e: {  	[smem:$0x3FC6] =	sst s2  }
0x8f: {  	_ = 	snop  }
0x90: {  	s2 =	sld [smem:$0x3FC9]  }
0x91: {  	s18 =	sld [smem:$0x3FD0];
	(tm) =	ssettm $0x1  }
0x92: {  	s4 =	sld [smem:$0x3FFB];
	_ =	sdelay $0x3  }
0x93: {  	_ =	strace s4  }
0x94: {  	s4 =	sld [smem:$0x3FFC];
	_ =	sdelay $0x3  }
0x95: {  	_ =	strace s4  }
0x96: {  	s4 =	sld [smem:$0x3FFD];
	_ =	sdelay $0x3  }
0x97: {  	_ =	strace s4  }
0x98: {  	_ =	strace $0x8FFFFFFF  }
0x99: {  	s19 =	sld [smem:$0x3FDB];
	_ =	sdelay $0x1  }
0x9a: {  	s5 =	simm.s32 $_scs_section_size  }
0x9b: {  	s6 =	simm.s32 $_size__tile_overlayer_lowered;
	s7 =	simm.s32 $_tile_overlayer_lowered  }
0x9c: {  	s22 =	simm.s32 $0x1BFF;
	s21 =	sshll.u32 s7, $0x1;
	s4 =	sadd.s32 s5, s19  }
0x9d: {  	s8 =	simm.s32 $0x0;
	s20 =	sshll.u32 s6, $0x1;
	s6 =	sadd.s32 s21, s4  }
0x9e: {  	[timem:s8], [sflag:s22] =	dma.local [hbm:s6], s20  }
0x9f: {  	_ =	swait.ge [sflag:s22], s20  }
0xa0: {  	s5 =	ssub.s32 $0x0, s20;
	[sflag:s22] =	ssyncset.done $0x0  }
0xa1: {  	[sflag:s22] =	ssyncadd.s32 s5;
	_ =	sdelay $0x1  }
0xa2: {  	s23 =	simm.s32 $0x1B8B  }
0xa3: {  	_ =	swait.ge [sflag:s23], $0x1  }
0xa4: {  	[sflag:s23] =	ssyncset.done $0x0  }
0xa5: {  	s25 =	simm.s32 $0x1B8E;
	s24 =	sld [smem:$0x3FFE];
	[sflag:s23] =	ssyncadd.s32 $0xFFFFFFFF  }
0xa6: {  	s26 =	simm.s32 $execute0_lowered;
	[smem:$0x3FD2] =	sst s25  }
0xa7: {  	s6 =	sshll.u32 s26, $0x1;
	_ =	strace $0x80000046;
	[dreg:$0x1] =	wrdreg $0xFFFFFFFF  }
0xa8: {  	s28 =	simm.s32 $_size_execute0_lowered;
	s4 =	sadd.s32 s4, s6;
	[dreg:$0x0] =	wrdreg $0x0  }
0xa9: {  	s6 =	sshll.u32 s28, $0x1;
	[dreg:$0x2] =	wrdreg s4  }
0xaa: {  	[dreg:$0x3] =	wrdreg s6  }
0xab: {  	[dreg:$0x4] =	wrdreg $0xC0  }
0xac: {  	_ =	task [dreg:s8], $0x5FFFF  }
0xad: {  	[dreg:$0x1] =	wrdreg $0xFFFFFFFF  }
0xae: {  	[dreg:$0x0] =	wrdreg $0x60  }
0xaf: {  	[dreg:$0x2] =	wrdreg s2  }
0xb0: {  	[dreg:$0x3] =	wrdreg s24  }
0xb1: {  	[dreg:$0x4] =	wrdreg s18  }
0xb2: {  	[dreg:$0x5] =	wrdreg $0x9  }
0xb3: {  	_ =	task.clear_ibuf [dreg:s8], $0x6FFFF;
	_ =	strace $0x90000046  }
0xb4: {  	s29 =	simm.s32 $0x9;
	_ =	strace $0x80000048  }
0xb5: {  	_ =	swait.ge [sflag:s29], $0x1  }
0xb6: {  	[sflag:s29] =	ssyncadd.s32 $0xFFFFFFFF  }
0xb7: {  	_ =	strace $0x90000048  }
0xb8: {  	_ =	sfence  }
0xb9: {  	s30 =	sld [smem:$0x0];
	_ =	sdelay $0x2  }
0xba: {  	s31 =	sshll.u32 s1, $0xD;
	s1 =	sshrl.u32 s1, $0x2  }
0xbb: {  	s3 =	sand.u32 $0x4000, s31;
	s1 =	sadd.s32 s1, s30  }
0xbc: {  	s0 =	sor.u32 s3, s0;
	s1 =	sshll.u32 s1, $0x11  }
0xbd: {  	s0 =	sor.u32 s1, s0  }
0xbe: {  	s0 =	sadd.s32 $0x8F2B, s0  }
0xbf: {  	[sflag:s0] =	ssyncadd.remote.s32 $0x1  }
0xc0: {  	_ =	sfence.sel $0xFFFF  }
0xc1: {  	[dreg:$0x0] =	wrdreg $0xFFFFFFFF;
	(pc) =	sbr.abs _section_cstart, $3  }
0xc2: {  	[dreg:$0x1] =	wrdreg $0xFFFFFFFF  }
0xc3: {  	_ =	task.clear_ibuf [dreg:s8], $0x2FFFF;
	_ =	strace $0x9FFFFFFF  }
0xc4: {  	(tm) =	ssettm $0x7FFFFFFF  }
0xc5: {  	_ =	shalt  }
tec
execute0_lowered:
.L_overlay_start_1:
0x0: {  	(tag) =	ssettag $0x1  }
0x1: {  	s1 =	rddreg [dreg:$0x0]  }
0x2: {  	s0 =	rddreg [dreg:$0x1]  }
0x3: {  	s5 =	rddreg [dreg:$0x2]  }
0x4: {  	s4 =	srdreg.scid;
	s3 =	simm.s32 $0x0;
	s2 =	stileid.u32  }
0x5: {  	s8 =	simm.s32 $0x1;
	s11 =	simm.s32 $0x6;
	s12 =	simm.s32 $0x80  }
0x6: {  	s13 =	simm.s32 $0x880;
	s14 =	simm.s32 $0x1080;
	s15 =	simm.s32 $0x1880  }
0x7: {  	s16 =	simm.s32 $0x2080;
	s17 =	simm.s32 $0x2880;
	s18 =	simm.s32 $0x3080  }
0x8: {  	s19 =	simm.s32 $0x3880;
	s20 =	simm.s32 $0x4080;
	s21 =	simm.s32 $0x4880  }
0x9: {  	s22 =	simm.s32 $0x5080;
	s23 =	simm.s32 $0x5880;
	s28 =	simm.s32 $0x7880  }
0xa: {  	s29 =	simm.s32 $0x2;
	s30 =	simm.s32 $0x3;
	s31 =	simm.s32 $0x4  }
0xb: {  	s4 =	sand.u32 $0x1, s4;
	[smem:$0x7FF] =	sst s3;
	s6 =	sshll.u32 s2, $0x6  }
0xc: {  	s7 =	sshll.u32 s4, $0x5;
	p1 =	seq.s32 s4, $0x1;
	s4 =	ssub.s32 $0x2, s4  }
0xd: {  	_ =	strace $0x80000047;
	s6 =	sor.u32 s7, s6;
	s24 =	sshrl.u32 s4, $0x1  }
0xe: {  	s7 =	sshrl.u32 s6, $0x3;
	p0 =	seq.s32 s6, $0x0;
	s10 =	ssub.s32 s4, s24  }
0xf: {  	s6 =	sshll.u32 s6, $0x7;
	s4 =	simm.s32 $0x1;
	s24 =	simm.s32 $0x6080  }
0x10: {  	s0 =	sadd.s32 s7, s0;
	p0 =	por !p0, !p1;
	s5 =	sadd.s32 s5, s6  }
0x11: {  	s6 =	sadd.s32 $0x100, s1;
	s7 =	sadd.s32 $0x200, s1;
	s0 =	sadd.s32 $0x400, s0  }
0x12: {  	p0 =	por !p0, !p0;
	s9 =	sadd.s32 $0x400, s5;
	[dreg:$0x4] =	wrdreg s0  }
0x13: {  	s26 =	sadd.s32 $0x800, s5;
	s8 =	simm.s32 @!p0 $0x0;
	[dreg:$0x5] =	wrdreg s9  }
0x14: {  	v1 =	vlaneseq.u32;
	s10 =	smax.u32 s10, $0x1;
	[dreg:$0x6] =	wrdreg s26;
	s25 =	ssub.s32 s2, s8  }
0x15: {  	vm0 =	vmmov $0xffff;
	v2 =	vshrl.u32 v1, $0x3;
	s9 =	sadd.s32 $0xC00, s5;
	s26 =	simm.s32 $0x7080;
	s0 =	sshll.u32 s25, $0xB  }
0x16: {  	v1 =	vand.u32 $0x7, v1;
	v2 =	vmul.u32 $0x8, v2;
	s8 =	sadd.s32 $0x300, s1;
	s25 =	simm.s32 $0x6880;
	v0 =	vmov s0;
	s0 =	simm.s32 $0x5  }
.LBB2_1:
0x17: {  	s2 =	rddreg [dreg:$0x4]  }
0x18: {  	[tilespmem:s3], [sflag:$0x6] =	stream.linear.gather [hbm4b:s2+s3], $0x20, $0x38;
	[tilespmem:$0x8080] =	vst v63  }
0x19: {  	_ =	swait.ge [sflag:s11], $0x20  }
0x1a: {  	[sflag:s11] =	ssyncset.done $0x0  }
0x1b: {  	[sflag:s11] =	ssyncadd.s32 $0xFFFFFFE0  }
0x1c: {  	v3 =	vld [tilespmem:$0x0];
	_ =	sdelay $0x4  }
0x1d: {  	v3 =	vadd.s32 v0, v3  }
0x1e: {  	[tilespmem:$0x0] =	vst v3  }
0x1f: {  	v3 =	vld.msk [tilespmem:$0x0], $0xff;
	_ =	sdelay $0x4  }
0x20: {  	v4 =	vshll.u32 v3, $0x3  }
0x21: {  	v3 =	vand.u32 $0x7, v3;
	v4 =	vand.u32 $0xFFFFFFC0, v4  }
0x22: {  	v3 =	vor.u32 v3, v4  }
0x23: {  	v60 =	vld [tilespmem:$0x10];
	v3 =	vperm.xlane v3, v1;
	_ =	sdelay $0x1  }
0x24: {  	v3 =	vadd.s32 v2, v3;
	_ =	sdelay $0x2  }
0x25: {  	v4 =	vadd.s32 v0, v60  }
0x26: {  	[tilespmem:$0x10] =	vst v4  }
0x27: {  	[tilespmem:s12], [sflag:$0x1] =	stream.indirect_vreg.gather [hbm4b:s1+s3], $0x80, v3, vm0, $0xb8;
	[tilespmem:$0x8080] =	vst v63  }
0x28: {  	_ = 	snop  }
0x29: {  	[tilespmem:s13], [sflag:$0x1] =	stream.indirect_vreg.gather [hbm4b:s6+s3], $0x80, v3, vm0, $0xb8;
	[tilespmem:$0x8080] =	vst v63  }
0x2a: {  	_ = 	snop  }
0x2b: {  	[tilespmem:s14], [sflag:$0x1] =	stream.indirect_vreg.gather [hbm4b:s7+s3], $0x80, v3, vm0, $0xb8;
	[tilespmem:$0x8080] =	vst v63  }
0x2c: {  	_ = 	snop  }
0x2d: {  	[tilespmem:s15], [sflag:$0x1] =	stream.indirect_vreg.gather [hbm4b:s8+s3], $0x80, v3, vm0, $0xb8;
	[tilespmem:$0x8080] =	vst v63  }
0x2e: {  	v3 =	vld.msk [tilespmem:$0x8], $0xff;
	_ =	sdelay $0x4  }
0x2f: {  	v61 =	vshll.u32 v3, $0x3  }
0x30: {  	v3 =	vand.u32 $0x7, v3;
	v4 =	vand.u32 $0xFFFFFFC0, v61  }
0x31: {  	v3 =	vor.u32 v3, v4  }
0x32: {  	v3 =	vperm.xlane v3, v1;
	_ =	sdelay $0x1  }
0x33: {  	v3 =	vadd.s32 v2, v3;
	_ =	sdelay $0x4  }
0x34: {  	[tilespmem:s16], [sflag:$0x2] =	stream.indirect_vreg.gather [hbm4b:s1+s3], $0x80, v3, vm0, $0xb8;
	[tilespmem:$0x8080] =	vst v63  }
0x35: {  	_ = 	snop  }
0x36: {  	[tilespmem:s17], [sflag:$0x2] =	stream.indirect_vreg.gather [hbm4b:s6+s3], $0x80, v3, vm0, $0xb8;
	[tilespmem:$0x8080] =	vst v63  }
0x37: {  	_ = 	snop  }
0x38: {  	[tilespmem:s18], [sflag:$0x2] =	stream.indirect_vreg.gather [hbm4b:s7+s3], $0x80, v3, vm0, $0xb8;
	[tilespmem:$0x8080] =	vst v63  }
0x39: {  	_ = 	snop  }
0x3a: {  	[tilespmem:s19], [sflag:$0x2] =	stream.indirect_vreg.gather [hbm4b:s8+s3], $0x80, v3, vm0, $0xb8;
	[tilespmem:$0x8080] =	vst v63  }
0x3b: {  	v3 =	vld.msk [tilespmem:$0x10], $0xff;
	_ =	sdelay $0x4  }
0x3c: {  	v62 =	vshll.u32 v3, $0x3  }
0x3d: {  	v3 =	vand.u32 $0x7, v3;
	v4 =	vand.u32 $0xFFFFFFC0, v62  }
0x3e: {  	v3 =	vor.u32 v3, v4  }
0x3f: {  	v3 =	vperm.xlane v3, v1;
	_ =	sdelay $0x1  }
0x40: {  	v3 =	vadd.s32 v2, v3;
	_ =	sdelay $0x4  }
0x41: {  	[tilespmem:s20], [sflag:$0x3] =	stream.indirect_vreg.gather [hbm4b:s1+s3], $0x80, v3, vm0, $0xb8;
	[tilespmem:$0x8080] =	vst v63  }
0x42: {  	_ = 	snop  }
0x43: {  	[tilespmem:s21], [sflag:$0x3] =	stream.indirect_vreg.gather [hbm4b:s6+s3], $0x80, v3, vm0, $0xb8;
	[tilespmem:$0x8080] =	vst v63  }
0x44: {  	_ = 	snop  }
0x45: {  	[tilespmem:s22], [sflag:$0x3] =	stream.indirect_vreg.gather [hbm4b:s7+s3], $0x80, v3, vm0, $0xb8;
	[tilespmem:$0x8080] =	vst v63  }
0x46: {  	_ = 	snop  }
0x47: {  	[tilespmem:s23], [sflag:$0x3] =	stream.indirect_vreg.gather [hbm4b:s8+s3], $0x80, v3, vm0, $0xb8;
	[tilespmem:$0x8080] =	vst v63  }
0x48: {  	v3 =	vld.msk [tilespmem:$0x18], $0xff;
	_ =	sdelay $0x4  }
0x49: {  	v63 =	vshll.u32 v3, $0x3  }
0x4a: {  	v3 =	vand.u32 $0x7, v3;
	v4 =	vand.u32 $0xFFFFFFC0, v63  }
0x4b: {  	v3 =	vor.u32 v3, v4  }
0x4c: {  	v3 =	vperm.xlane v3, v1;
	_ =	sdelay $0x1  }
0x4d: {  	v3 =	vadd.s32 v2, v3;
	_ =	sdelay $0x4  }
0x4e: {  	[tilespmem:s24], [sflag:$0x4] =	stream.indirect_vreg.gather [hbm4b:s1+s3], $0x80, v3, vm0, $0xb8;
	[tilespmem:$0x8080] =	vst v63  }
0x4f: {  	_ = 	snop  }
0x50: {  	[tilespmem:s25], [sflag:$0x4] =	stream.indirect_vreg.gather [hbm4b:s6+s3], $0x80, v3, vm0, $0xb8;
	[tilespmem:$0x8080] =	vst v63  }
0x51: {  	_ = 	snop  }
0x52: {  	[tilespmem:s26], [sflag:$0x4] =	stream.indirect_vreg.gather [hbm4b:s7+s3], $0x80, v3, vm0, $0xb8;
	[tilespmem:$0x8080] =	vst v63  }
0x53: {  	_ = 	snop  }
0x54: {  	[tilespmem:s28], [sflag:$0x4] =	stream.indirect_vreg.gather [hbm4b:s8+s3], $0x80, v3, vm0, $0xb8;
	[tilespmem:$0x8080] =	vst v63  }
0x55: {  	_ =	swait.ge [sflag:s4], $0x2000  }
0x56: {  	[sflag:s4] =	ssyncset.done $0x0  }
0x57: {  	[sflag:s4] =	ssyncadd.s32 $0xFFFFE000  }
0x58: {  	[hbm4b:s5+s3] =	stream.linear.scatter [tilespmem:s12], [sflag:$0x5], $0x2000, $0x38;
	[tilespmem:$0x8080] =	vst v63  }
0x59: {  	_ =	swait.ge [sflag:s29], $0x2000  }
0x5a: {  	[sflag:s29] =	ssyncset.done $0x0  }
0x5b: {  	s2 =	rddreg [dreg:$0x5];
	[sflag:s29] =	ssyncadd.s32 $0xFFFFE000  }
0x5c: {  	[hbm4b:s2+s3] =	stream.linear.scatter [tilespmem:s16], [sflag:$0x5], $0x2000, $0x38;
	[tilespmem:$0x8080] =	vst v63  }
0x5d: {  	_ =	swait.ge [sflag:s30], $0x2000  }
0x5e: {  	[sflag:s30] =	ssyncset.done $0x0  }
0x5f: {  	s2 =	rddreg [dreg:$0x6];
	[sflag:s30] =	ssyncadd.s32 $0xFFFFE000  }
0x60: {  	[hbm4b:s2+s3] =	stream.linear.scatter [tilespmem:s20], [sflag:$0x5], $0x2000, $0x38;
	[tilespmem:$0x8080] =	vst v63  }
0x61: {  	_ =	swait.ge [sflag:s31], $0x2000  }
0x62: {  	[sflag:s31] =	ssyncset.done $0x0  }
0x63: {  	[sflag:s31] =	ssyncadd.s32 $0xFFFFE000  }
0x64: {  	[hbm4b:s9+s3] =	stream.linear.scatter [tilespmem:s24], [sflag:$0x5], $0x2000, $0x38;
	[tilespmem:$0x8080] =	vst v63  }
0x65: {  	_ =	swait.ge [sflag:s0], $0x2000  }
0x66: {  	[sflag:s0] =	ssyncset.done $0x0  }
0x67: {  	[sflag:s0] =	ssyncadd.s32 $0xFFFFE000  }
0x68: {  	_ =	swait.ge [sflag:s0], $0x2000  }
0x69: {  	[sflag:s0] =	ssyncset.done $0x0  }
0x6a: {  	[sflag:s0] =	ssyncadd.s32 $0xFFFFE000  }
0x6b: {  	p0 =	sne.s32 s10, $0x1;
	_ =	swait.ge [sflag:s0], $0x2000  }
.Ltmp0:
0x6c: {  	[sflag:s0] =	ssyncset.done $0x0;
	(pc) =	sbr.rel @p0 .LBB2_1-.Ltmp0, $4  }
0x6d: {  	[sflag:s0] =	ssyncadd.s32 $0xFFFFE000  }
0x6e: {  	_ =	swait.ge [sflag:s0], $0x2000  }
0x6f: {  	[sflag:s0] =	ssyncset.done $0x0  }
0x70: {  	s10 =	sadd.s32 $0xFFFFFFFF, s10;
	[sflag:s0] =	ssyncadd.s32 $0xFFFFE000  }
0x71: {  	_ =	sfence.sel $0x180000  }
0x72: {  	[bflag:$0x0] =	sbarrier.arrive $0xFFFF  }
0x73: {  	_ =	strace $0x90000047  }
0x74: {  	s0 =	stileid.u32;
	[bflag:$0x2] =	sbarrier.arrive $0xFFFF  }
0x75: {  	p0 =	sne.s32 s0, $0x0;
	s0 =	rddreg [dreg:$0x3]  }
0x76: {  	s0 =	sadd.s32 @!p0 $0x100000, s0  }
0x77: {  	[sflag:s0] =	ssyncadd.tile.s32 @!p0 $0x1;
	_ =	shalt  }
.Lfunc_end2:
_tile_overlayer_lowered:
.L_overlay_start_2:
0x78: {  	(tag) =	ssettag $0x2  }
0x79: {  	s0 =	rddreg [dreg:$0x0];
	s2 =	stileid.u32  }
0x7a: {  	s1 =	rddreg [dreg:$0x1];
	p0 =	sne.s32 s2, $0x0  }
0x7b: {  	s3 =	rddreg [dreg:$0x2];
	[bflag:$0x3] =	sbarrier.arrive $0xFFFF;
	s2 =	simm.s32 @!p0 $0x1C06  }
0x7c: {  	[timem:s3], [sflag:s2] =	dma.local @!p0 [hbm:s0], s1  }
0x7d: {  	s0 =	simm.s32 @!p0 $0x6  }
0x7e: {  	_ =	swait.ge @!p0 [sflag:s0], s1  }
0x7f: {  	s1 =	ssub.s32 @!p0 $0x0, s1;
	[sflag:s0] =	ssyncset.done @!p0 $0x0  }
0x80: {  	[sflag:s0] =	ssyncadd.s32 @!p0 s1  }
0x81: {  	[bflag:$0x3] =	sbarrier.arrive $0xFFFF  }
0x82: {  	_ =	shalt  }

</sc_bundles>
